<compile_context>
chip_gen: v7x
topology: tpu7x:2x2x1
jax: 0.10.2.dev20260603
libtpu: 0.0.44.dev20260713+nightly
codegen_flags: <defaults>
</compile_context>

<pallas_src>
import functools

import jax
import jax.numpy as jnp
import numpy as np
from jax import lax
from jax.experimental import pallas as pl
from jax.experimental.pallas import tpu as pltpu
from jax.experimental.pallas import tpu_sc as plsc

B = 32
T = 441000
NEW_LEN = 160000
SCALE = np.float32(T / NEW_LEN)

G = 40
IN_CHUNK = 441 * G
OUT_CHUNK = 160 * G
MARGIN = 8
BUF_LEN = 17664
SUB = 4
SUB_LEN = BUF_LEN // SUB
N_CHUNKS = T // IN_CHUNK
NS = 16


def _body(wav_hbm, out_hbm, in0, in1, ou0, sem00, sem01, sem02, sem03,
          sem10, sem11, sem12, sem13, so0):
    in_bufs = (in0, in1)
    in_sems = ((sem00, sem01, sem02, sem03), (sem10, sem11, sem12, sem13))
    nc = 2
    sid = lax.axis_index("s")
    row = sid * nc + lax.axis_index("c")
    row_in = row * T
    row_out = pl.multiple_of(row * NEW_LEN, 16)

    off = (row % nc) * 8
    ws_min = -off
    ws_max = (T - BUF_LEN + 8) - off

    def window_start(c):
        d = lax.min(lax.max(c * IN_CHUNK - MARGIN, ws_min), ws_max)
        return ((d - off) & ~15) + off

    def issue_in(c, b):
        base = pl.multiple_of(row_in + window_start(c), 16)
        for k in range(SUB):
            pltpu.async_copy(
                wav_hbm.at[pl.ds(pl.multiple_of(base + k * SUB_LEN, 16), SUB_LEN)],
                in_bufs[b].at[pl.ds(k * SUB_LEN, SUB_LEN)],
                in_sems[b][k],
            )

    def wait_in(b):
        for k in range(SUB):
            pltpu.make_async_copy(
                wav_hbm.at[pl.ds(row_in, SUB_LEN)],
                in_bufs[b].at[pl.ds(k * SUB_LEN, SUB_LEN)],
                in_sems[b][k],
            ).wait()

    issue_in(0, 0)
    issue_in(1, 1)

    @pl.loop(0, N_CHUNKS, step=2)
    def chunk_pair(c0):
        for bb in range(2):
            c = c0 + bb
            wait_in(bb)
            issue_in(c + 2, bb)

    wait_in(0)
    pltpu.async_copy(ou0, out_hbm.at[pl.ds(row_out, OUT_CHUNK)], so0)
    pltpu.make_async_copy(ou0, out_hbm.at[pl.ds(row_out, OUT_CHUNK)], so0).wait()
    wait_in(1)


@functools.cache
def _resample():
    return functools.partial(
        pl.kernel,
        out_type=jax.ShapeDtypeStruct((B * NEW_LEN,), jnp.float32),
        mesh=plsc.VectorSubcoreMesh(core_axis_name="c", subcore_axis_name="s"),
        scratch_types=[
            pltpu.VMEM((BUF_LEN,), jnp.float32),
            pltpu.VMEM((BUF_LEN,), jnp.float32),
            pltpu.VMEM((OUT_CHUNK,), jnp.float32),
            pltpu.SemaphoreType.DMA,
            pltpu.SemaphoreType.DMA,
            pltpu.SemaphoreType.DMA,
            pltpu.SemaphoreType.DMA,
            pltpu.SemaphoreType.DMA,
            pltpu.SemaphoreType.DMA,
            pltpu.SemaphoreType.DMA,
            pltpu.SemaphoreType.DMA,
            pltpu.SemaphoreType.DMA,
        ],
        compiler_params=pltpu.CompilerParams(needs_layout_passes=False),
    )(_body)


@jax.jit
def kernel(wav):
    if wav.ndim > 1:
        wav = wav.reshape(wav.shape[0], -1)
    else:
        wav = wav.reshape(1, -1)
    return _resample()(wav.reshape(-1)).reshape(B, NEW_LEN)

# --- scband reference (transcript-rebuilt; emitter-appended) ---
"""Pipeline reference for scband-change-sample-rate-44890998178450 (READ-ONLY COPY).

The authoritative reference and input builder live on the scoring server;
editing this copy changes nothing except your own understanding.
"""

import jax, jax.numpy as jnp
import numpy as np

INPUT_RATE = 44100
OUTPUT_RATE = 16000
OUTPUT_SIZE = 0


def setup_inputs(seed: int = 0) -> dict:
    key = jax.random.key(seed)
    wav = jax.random.normal(key, (32, 441000), dtype=jnp.float32)
    return {"wav": wav}


def reference(wav):
    # wav.view(B, -1) if dim > 1 else view(1, -1)
    if wav.ndim > 1:
        wav = wav.reshape(wav.shape[0], -1)
    else:
        wav = wav.reshape(1, -1)
    T = wav.shape[-1]
    new_length = T * OUTPUT_RATE // INPUT_RATE
    new_length = new_length if OUTPUT_SIZE == 0 else OUTPUT_SIZE
    indices = jnp.arange(new_length, dtype=jnp.float32) * (T / new_length)
    idx_lo = indices.astype(jnp.int32)
    idx_hi = jnp.minimum(idx_lo + 1, T - 1)
    round_down = jnp.take(wav, idx_lo, axis=1)
    round_up = jnp.take(wav, idx_hi, axis=1)
    frac = jnp.mod(indices, 1.0)
    output = round_down * (1.0 - frac)[None, :] + round_up * frac[None, :]
    return output

if __name__ == "__main__":
    import jax
    _d = setup_inputs()
    print(jax.jit(kernel)(*tuple(_d.values())))

</pallas_src>

<mosaic_0001>
#map = affine_map<(d0, d1) -> (0)>
module attributes {stable_mosaic.version = 14 : i64} {
  func.func @_body(%arg0: i32, %arg1: i32, %arg2: memref<14112000xf32, #tpu.memory_space<hbm>>, %arg3: memref<5120000xf32, #tpu.memory_space<hbm>>, %arg4: memref<17664xf32, #tpu.memory_space<vmem>>, %arg5: memref<17664xf32, #tpu.memory_space<vmem>>, %arg6: memref<6400xf32, #tpu.memory_space<vmem>>, %arg7: memref<!tpu.dma_semaphore, #tpu.memory_space<semaphore_mem>>, %arg8: memref<!tpu.dma_semaphore, #tpu.memory_space<semaphore_mem>>, %arg9: memref<!tpu.dma_semaphore, #tpu.memory_space<semaphore_mem>>, %arg10: memref<!tpu.dma_semaphore, #tpu.memory_space<semaphore_mem>>, %arg11: memref<!tpu.dma_semaphore, #tpu.memory_space<semaphore_mem>>, %arg12: memref<!tpu.dma_semaphore, #tpu.memory_space<semaphore_mem>>, %arg13: memref<!tpu.dma_semaphore, #tpu.memory_space<semaphore_mem>>, %arg14: memref<!tpu.dma_semaphore, #tpu.memory_space<semaphore_mem>>, %arg15: memref<!tpu.dma_semaphore, #tpu.memory_space<semaphore_mem>>) attributes {dimension_semantics = [#tpu.dimension_semantics<core_parallel>, #tpu.dimension_semantics<subcore_parallel>], iteration_bounds = array<i64: 2, 16>, scalar_prefetch = 0 : i64, scratch_operands = 12 : i64, tpu.core_type = #tpu.core_type<sc_vector_subcore>, window_params = [{transform_indices = #map}, {transform_indices = #map}]} {
    %mul3A = arith.constant 2 : i32
    %mul3A_0 = arith.muli %arg1, %mul3A : i32
    %add3A = arith.addi %mul3A_0, %arg0 : i32
    %mul3A_1 = arith.constant 441000 : i32
    %mul3A_2 = arith.muli %add3A, %mul3A_1 : i32
    %mul3A_3 = arith.constant 160000 : i32
    %mul3A_4 = arith.muli %add3A, %mul3A_3 : i32
    %multiple_of3A = tpu.assume_multiple %mul3A_4, 16 : i32
    %jit3A = arith.constant 2 : i32
    %eq3A = arith.constant 0 : i32
    %eq3A_5 = arith.cmpi eq, %jit3A, %eq3A : i32
    %jit3A_6 = arith.constant 1 : i32
    %select_n3A = arith.select %eq3A_5, %jit3A_6, %jit3A : i32
    %rem3A = arith.remsi %add3A, %select_n3A : i32
    %ne3A = arith.constant 0 : i32
    %ne3A_7 = arith.cmpi ne, %rem3A, %ne3A : i32
    %lt3A = arith.constant 0 : i32
    %lt3A_8 = arith.cmpi slt, %rem3A, %lt3A : i32
    %lt3A_9 = arith.constant 0 : i32
    %lt3A_10 = arith.cmpi slt, %select_n3A, %lt3A_9 : i32
    %ne3A_11 = arith.xori %lt3A_8, %lt3A_10 : i1
    %and3A = arith.andi %ne3A_11, %ne3A_7 : i1
    %add3A_12 = arith.addi %rem3A, %select_n3A : i32
    %select_n3A_13 = arith.select %and3A, %add3A_12, %rem3A : i32
    %mul3A_14 = arith.constant 8 : i32
    %mul3A_15 = arith.muli %select_n3A_13, %mul3A_14 : i32
    %neg3A = arith.constant 0 : i32
    %neg3A_16 = arith.subi %neg3A, %mul3A_15 : i32
    %sub3A = arith.constant 423344 : i32
    %sub3A_17 = arith.subi %sub3A, %mul3A_15 : i32
    %max3A = arith.constant -8 : i32
    %max3A_18 = arith.maxsi %max3A, %neg3A_16 : i32
    %min3A = arith.minsi %max3A_18, %sub3A_17 : i32
    %sub3A_19 = arith.subi %min3A, %mul3A_15 : i32
    %and3A_20 = arith.constant -16 : i32
    %and3A_21 = arith.andi %sub3A_19, %and3A_20 : i32
    %add3A_22 = arith.addi %and3A_21, %mul3A_15 : i32
    %add3A_23 = arith.addi %mul3A_2, %add3A_22 : i32
    %multiple_of3A_24 = tpu.assume_multiple %add3A_23, 16 : i32
    %add3A_25 = arith.constant 0 : i32
    %add3A_26 = arith.addi %multiple_of3A_24, %add3A_25 : i32
    %multiple_of3A_27 = tpu.assume_multiple %add3A_26, 16 : i32
    %dma_start3A = arith.constant 0 : i32
    %dma_start3A_28 = tpu.memref_slice %arg4[%dma_start3A] : memref<17664xf32, #tpu.memory_space<vmem>> -> memref<4416xf32, #tpu.memory_space<vmem>>
    %dma_start3A_29 = tpu.memref_slice %arg2[%multiple_of3A_27] : memref<14112000xf32, #tpu.memory_space<hbm>> -> memref<4416xf32, #tpu.memory_space<hbm>>
    %dma_start3A_30 = arith.constant 0 : i32
    %dma_start3A_31 = tpu.memref_slice %arg4[%dma_start3A_30] : memref<17664xf32, #tpu.memory_space<vmem>> -> memref<4416xf32, #tpu.memory_space<vmem>>
    %dma_start3A_32 = tpu.memref_slice %arg2[%multiple_of3A_27] : memref<14112000xf32, #tpu.memory_space<hbm>> -> memref<4416xf32, #tpu.memory_space<hbm>>
    tpu.enqueue_dma source(%dma_start3A_32 : memref<4416xf32, #tpu.memory_space<hbm>>) target(%dma_start3A_31 : memref<4416xf32, #tpu.memory_space<vmem>>) target_semaphore(%arg7 : memref<!tpu.dma_semaphore, #tpu.memory_space<semaphore_mem>>)
    %add3A_33 = arith.constant 4416 : i32
    %add3A_34 = arith.addi %multiple_of3A_24, %add3A_33 : i32
    %multiple_of3A_35 = tpu.assume_multiple %add3A_34, 16 : i32
    %dma_start3A_36 = arith.constant 4416 : i32
    %dma_start3A_37 = tpu.memref_slice %arg4[%dma_start3A_36] : memref<17664xf32, #tpu.memory_space<vmem>> -> memref<4416xf32, #tpu.memory_space<vmem>>
    %dma_start3A_38 = tpu.memref_slice %arg2[%multiple_of3A_35] : memref<14112000xf32, #tpu.memory_space<hbm>> -> memref<4416xf32, #tpu.memory_space<hbm>>
    %dma_start3A_39 = arith.constant 4416 : i32
    %dma_start3A_40 = tpu.memref_slice %arg4[%dma_start3A_39] : memref<17664xf32, #tpu.memory_space<vmem>> -> memref<4416xf32, #tpu.memory_space<vmem>>
    %dma_start3A_41 = tpu.memref_slice %arg2[%multiple_of3A_35] : memref<14112000xf32, #tpu.memory_space<hbm>> -> memref<4416xf32, #tpu.memory_space<hbm>>
    tpu.enqueue_dma source(%dma_start3A_41 : memref<4416xf32, #tpu.memory_space<hbm>>) target(%dma_start3A_40 : memref<4416xf32, #tpu.memory_space<vmem>>) target_semaphore(%arg8 : memref<!tpu.dma_semaphore, #tpu.memory_space<semaphore_mem>>)
    %add3A_42 = arith.constant 8832 : i32
    %add3A_43 = arith.addi %multiple_of3A_24, %add3A_42 : i32
    %multiple_of3A_44 = tpu.assume_multiple %add3A_43, 16 : i32
    %dma_start3A_45 = arith.constant 8832 : i32
    %dma_start3A_46 = tpu.memref_slice %arg4[%dma_start3A_45] : memref<17664xf32, #tpu.memory_space<vmem>> -> memref<4416xf32, #tpu.memory_space<vmem>>
    %dma_start3A_47 = tpu.memref_slice %arg2[%multiple_of3A_44] : memref<14112000xf32, #tpu.memory_space<hbm>> -> memref<4416xf32, #tpu.memory_space<hbm>>
    %dma_start3A_48 = arith.constant 8832 : i32
    %dma_start3A_49 = tpu.memref_slice %arg4[%dma_start3A_48] : memref<17664xf32, #tpu.memory_space<vmem>> -> memref<4416xf32, #tpu.memory_space<vmem>>
    %dma_start3A_50 = tpu.memref_slice %arg2[%multiple_of3A_44] : memref<14112000xf32, #tpu.memory_space<hbm>> -> memref<4416xf32, #tpu.memory_space<hbm>>
    tpu.enqueue_dma source(%dma_start3A_50 : memref<4416xf32, #tpu.memory_space<hbm>>) target(%dma_start3A_49 : memref<4416xf32, #tpu.memory_space<vmem>>) target_semaphore(%arg9 : memref<!tpu.dma_semaphore, #tpu.memory_space<semaphore_mem>>)
    %add3A_51 = arith.constant 13248 : i32
    %add3A_52 = arith.addi %multiple_of3A_24, %add3A_51 : i32
    %multiple_of3A_53 = tpu.assume_multiple %add3A_52, 16 : i32
    %dma_start3A_54 = arith.constant 13248 : i32
    %dma_start3A_55 = tpu.memref_slice %arg4[%dma_start3A_54] : memref<17664xf32, #tpu.memory_space<vmem>> -> memref<4416xf32, #tpu.memory_space<vmem>>
    %dma_start3A_56 = tpu.memref_slice %arg2[%multiple_of3A_53] : memref<14112000xf32, #tpu.memory_space<hbm>> -> memref<4416xf32, #tpu.memory_space<hbm>>
    %dma_start3A_57 = arith.constant 13248 : i32
    %dma_start3A_58 = tpu.memref_slice %arg4[%dma_start3A_57] : memref<17664xf32, #tpu.memory_space<vmem>> -> memref<4416xf32, #tpu.memory_space<vmem>>
    %dma_start3A_59 = tpu.memref_slice %arg2[%multiple_of3A_53] : memref<14112000xf32, #tpu.memory_space<hbm>> -> memref<4416xf32, #tpu.memory_space<hbm>>
    tpu.enqueue_dma source(%dma_start3A_59 : memref<4416xf32, #tpu.memory_space<hbm>>) target(%dma_start3A_58 : memref<4416xf32, #tpu.memory_space<vmem>>) target_semaphore(%arg10 : memref<!tpu.dma_semaphore, #tpu.memory_space<semaphore_mem>>)
    %max3A_60 = arith.constant 17632 : i32
    %max3A_61 = arith.maxsi %max3A_60, %neg3A_16 : i32
    %min3A_62 = arith.minsi %max3A_61, %sub3A_17 : i32
    %sub3A_63 = arith.subi %min3A_62, %mul3A_15 : i32
    %and3A_64 = arith.constant -16 : i32
    %and3A_65 = arith.andi %sub3A_63, %and3A_64 : i32
    %add3A_66 = arith.addi %and3A_65, %mul3A_15 : i32
    %add3A_67 = arith.addi %mul3A_2, %add3A_66 : i32
    %multiple_of3A_68 = tpu.assume_multiple %add3A_67, 16 : i32
    %add3A_69 = arith.constant 0 : i32
    %add3A_70 = arith.addi %multiple_of3A_68, %add3A_69 : i32
    %multiple_of3A_71 = tpu.assume_multiple %add3A_70, 16 : i32
    %dma_start3A_72 = arith.constant 0 : i32
    %dma_start3A_73 = tpu.memref_slice %arg5[%dma_start3A_72] : memref<17664xf32, #tpu.memory_space<vmem>> -> memref<4416xf32, #tpu.memory_space<vmem>>
    %dma_start3A_74 = tpu.memref_slice %arg2[%multiple_of3A_71] : memref<14112000xf32, #tpu.memory_space<hbm>> -> memref<4416xf32, #tpu.memory_space<hbm>>
    %dma_start3A_75 = arith.constant 0 : i32
    %dma_start3A_76 = tpu.memref_slice %arg5[%dma_start3A_75] : memref<17664xf32, #tpu.memory_space<vmem>> -> memref<4416xf32, #tpu.memory_space<vmem>>
    %dma_start3A_77 = tpu.memref_slice %arg2[%multiple_of3A_71] : memref<14112000xf32, #tpu.memory_space<hbm>> -> memref<4416xf32, #tpu.memory_space<hbm>>
    tpu.enqueue_dma source(%dma_start3A_77 : memref<4416xf32, #tpu.memory_space<hbm>>) target(%dma_start3A_76 : memref<4416xf32, #tpu.memory_space<vmem>>) target_semaphore(%arg11 : memref<!tpu.dma_semaphore, #tpu.memory_space<semaphore_mem>>)
    %add3A_78 = arith.constant 4416 : i32
    %add3A_79 = arith.addi %multiple_of3A_68, %add3A_78 : i32
    %multiple_of3A_80 = tpu.assume_multiple %add3A_79, 16 : i32
    %dma_start3A_81 = arith.constant 4416 : i32
    %dma_start3A_82 = tpu.memref_slice %arg5[%dma_start3A_81] : memref<17664xf32, #tpu.memory_space<vmem>> -> memref<4416xf32, #tpu.memory_space<vmem>>
    %dma_start3A_83 = tpu.memref_slice %arg2[%multiple_of3A_80] : memref<14112000xf32, #tpu.memory_space<hbm>> -> memref<4416xf32, #tpu.memory_space<hbm>>
    %dma_start3A_84 = arith.constant 4416 : i32
    %dma_start3A_85 = tpu.memref_slice %arg5[%dma_start3A_84] : memref<17664xf32, #tpu.memory_space<vmem>> -> memref<4416xf32, #tpu.memory_space<vmem>>
    %dma_start3A_86 = tpu.memref_slice %arg2[%multiple_of3A_80] : memref<14112000xf32, #tpu.memory_space<hbm>> -> memref<4416xf32, #tpu.memory_space<hbm>>
    tpu.enqueue_dma source(%dma_start3A_86 : memref<4416xf32, #tpu.memory_space<hbm>>) target(%dma_start3A_85 : memref<4416xf32, #tpu.memory_space<vmem>>) target_semaphore(%arg12 : memref<!tpu.dma_semaphore, #tpu.memory_space<semaphore_mem>>)
    %add3A_87 = arith.constant 8832 : i32
    %add3A_88 = arith.addi %multiple_of3A_68, %add3A_87 : i32
    %multiple_of3A_89 = tpu.assume_multiple %add3A_88, 16 : i32
    %dma_start3A_90 = arith.constant 8832 : i32
    %dma_start3A_91 = tpu.memref_slice %arg5[%dma_start3A_90] : memref<17664xf32, #tpu.memory_space<vmem>> -> memref<4416xf32, #tpu.memory_space<vmem>>
    %dma_start3A_92 = tpu.memref_slice %arg2[%multiple_of3A_89] : memref<14112000xf32, #tpu.memory_space<hbm>> -> memref<4416xf32, #tpu.memory_space<hbm>>
    %dma_start3A_93 = arith.constant 8832 : i32
    %dma_start3A_94 = tpu.memref_slice %arg5[%dma_start3A_93] : memref<17664xf32, #tpu.memory_space<vmem>> -> memref<4416xf32, #tpu.memory_space<vmem>>
    %dma_start3A_95 = tpu.memref_slice %arg2[%multiple_of3A_89] : memref<14112000xf32, #tpu.memory_space<hbm>> -> memref<4416xf32, #tpu.memory_space<hbm>>
    tpu.enqueue_dma source(%dma_start3A_95 : memref<4416xf32, #tpu.memory_space<hbm>>) target(%dma_start3A_94 : memref<4416xf32, #tpu.memory_space<vmem>>) target_semaphore(%arg13 : memref<!tpu.dma_semaphore, #tpu.memory_space<semaphore_mem>>)
    %add3A_96 = arith.constant 13248 : i32
    %add3A_97 = arith.addi %multiple_of3A_68, %add3A_96 : i32
    %multiple_of3A_98 = tpu.assume_multiple %add3A_97, 16 : i32
    %dma_start3A_99 = arith.constant 13248 : i32
    %dma_start3A_100 = tpu.memref_slice %arg5[%dma_start3A_99] : memref<17664xf32, #tpu.memory_space<vmem>> -> memref<4416xf32, #tpu.memory_space<vmem>>
    %dma_start3A_101 = tpu.memref_slice %arg2[%multiple_of3A_98] : memref<14112000xf32, #tpu.memory_space<hbm>> -> memref<4416xf32, #tpu.memory_space<hbm>>
    %dma_start3A_102 = arith.constant 13248 : i32
    %dma_start3A_103 = tpu.memref_slice %arg5[%dma_start3A_102] : memref<17664xf32, #tpu.memory_space<vmem>> -> memref<4416xf32, #tpu.memory_space<vmem>>
    %dma_start3A_104 = tpu.memref_slice %arg2[%multiple_of3A_98] : memref<14112000xf32, #tpu.memory_space<hbm>> -> memref<4416xf32, #tpu.memory_space<hbm>>
    tpu.enqueue_dma source(%dma_start3A_104 : memref<4416xf32, #tpu.memory_space<hbm>>) target(%dma_start3A_103 : memref<4416xf32, #tpu.memory_space<vmem>>) target_semaphore(%arg14 : memref<!tpu.dma_semaphore, #tpu.memory_space<semaphore_mem>>)
    %scan3A = arith.constant 0 : i32
    %scan3A_105 = arith.constant 13 : i32
    %scan3A_106 = arith.addi %scan3A, %scan3A_105 : i32
    %scan3A_107 = arith.constant 1 : i32
    scf.for %scan3A_160 = %scan3A to %scan3A_106 step %scan3A_107  : i32 {
      %mul3A_161 = arith.constant 2 : i32
      %mul3A_162 = arith.muli %scan3A_160, %mul3A_161 : i32
      %add3A_163 = arith.constant 0 : i32
      %add3A_164 = arith.addi %add3A_163, %mul3A_162 : i32
      %add3A_165 = arith.constant 0 : i32
      %add3A_166 = arith.addi %add3A_164, %add3A_165 : i32
      %dma_wait3A_167 = arith.constant 0 : i32
      %dma_wait3A_168 = tpu.memref_slice %arg4[%dma_wait3A_167] : memref<17664xf32, #tpu.memory_space<vmem>> -> memref<4416xf32, #tpu.memory_space<vmem>>
      %dma_wait3A_169 = tpu.memref_slice %arg2[%mul3A_2] : memref<14112000xf32, #tpu.memory_space<hbm>> -> memref<4416xf32, #tpu.memory_space<hbm>>
      %dma_wait3A_170 = arith.constant 0 : i32
      %dma_wait3A_171 = tpu.memref_slice %arg4[%dma_wait3A_170] : memref<17664xf32, #tpu.memory_space<vmem>> -> memref<4416xf32, #tpu.memory_space<vmem>>
      %dma_wait3A_172 = tpu.memref_slice %arg2[%mul3A_2] : memref<14112000xf32, #tpu.memory_space<hbm>> -> memref<4416xf32, #tpu.memory_space<hbm>>
      tpu.wait_dma2 semaphore(%arg7 : memref<!tpu.dma_semaphore, #tpu.memory_space<semaphore_mem>>) src(%dma_wait3A_172 : memref<4416xf32, #tpu.memory_space<hbm>>) dst(%dma_wait3A_171 : memref<4416xf32, #tpu.memory_space<vmem>>)
      %dma_wait3A_173 = arith.constant 4416 : i32
      %dma_wait3A_174 = tpu.memref_slice %arg4[%dma_wait3A_173] : memref<17664xf32, #tpu.memory_space<vmem>> -> memref<4416xf32, #tpu.memory_space<vmem>>
      %dma_wait3A_175 = tpu.memref_slice %arg2[%mul3A_2] : memref<14112000xf32, #tpu.memory_space<hbm>> -> memref<4416xf32, #tpu.memory_space<hbm>>
      %dma_wait3A_176 = arith.constant 4416 : i32
      %dma_wait3A_177 = tpu.memref_slice %arg4[%dma_wait3A_176] : memref<17664xf32, #tpu.memory_space<vmem>> -> memref<4416xf32, #tpu.memory_space<vmem>>
      %dma_wait3A_178 = tpu.memref_slice %arg2[%mul3A_2] : memref<14112000xf32, #tpu.memory_space<hbm>> -> memref<4416xf32, #tpu.memory_space<hbm>>
      tpu.wait_dma2 semaphore(%arg8 : memref<!tpu.dma_semaphore, #tpu.memory_space<semaphore_mem>>) src(%dma_wait3A_178 : memref<4416xf32, #tpu.memory_space<hbm>>) dst(%dma_wait3A_177 : memref<4416xf32, #tpu.memory_space<vmem>>)
      %dma_wait3A_179 = arith.constant 8832 : i32
      %dma_wait3A_180 = tpu.memref_slice %arg4[%dma_wait3A_179] : memref<17664xf32, #tpu.memory_space<vmem>> -> memref<4416xf32, #tpu.memory_space<vmem>>
      %dma_wait3A_181 = tpu.memref_slice %arg2[%mul3A_2] : memref<14112000xf32, #tpu.memory_space<hbm>> -> memref<4416xf32, #tpu.memory_space<hbm>>
      %dma_wait3A_182 = arith.constant 8832 : i32
      %dma_wait3A_183 = tpu.memref_slice %arg4[%dma_wait3A_182] : memref<17664xf32, #tpu.memory_space<vmem>> -> memref<4416xf32, #tpu.memory_space<vmem>>
      %dma_wait3A_184 = tpu.memref_slice %arg2[%mul3A_2] : memref<14112000xf32, #tpu.memory_space<hbm>> -> memref<4416xf32, #tpu.memory_space<hbm>>
      tpu.wait_dma2 semaphore(%arg9 : memref<!tpu.dma_semaphore, #tpu.memory_space<semaphore_mem>>) src(%dma_wait3A_184 : memref<4416xf32, #tpu.memory_space<hbm>>) dst(%dma_wait3A_183 : memref<4416xf32, #tpu.memory_space<vmem>>)
      %dma_wait3A_185 = arith.constant 13248 : i32
      %dma_wait3A_186 = tpu.memref_slice %arg4[%dma_wait3A_185] : memref<17664xf32, #tpu.memory_space<vmem>> -> memref<4416xf32, #tpu.memory_space<vmem>>
      %dma_wait3A_187 = tpu.memref_slice %arg2[%mul3A_2] : memref<14112000xf32, #tpu.memory_space<hbm>> -> memref<4416xf32, #tpu.memory_space<hbm>>
      %dma_wait3A_188 = arith.constant 13248 : i32
      %dma_wait3A_189 = tpu.memref_slice %arg4[%dma_wait3A_188] : memref<17664xf32, #tpu.memory_space<vmem>> -> memref<4416xf32, #tpu.memory_space<vmem>>
      %dma_wait3A_190 = tpu.memref_slice %arg2[%mul3A_2] : memref<14112000xf32, #tpu.memory_space<hbm>> -> memref<4416xf32, #tpu.memory_space<hbm>>
      tpu.wait_dma2 semaphore(%arg10 : memref<!tpu.dma_semaphore, #tpu.memory_space<semaphore_mem>>) src(%dma_wait3A_190 : memref<4416xf32, #tpu.memory_space<hbm>>) dst(%dma_wait3A_189 : memref<4416xf32, #tpu.memory_space<vmem>>)
      %add3A_191 = arith.constant 2 : i32
      %add3A_192 = arith.addi %add3A_166, %add3A_191 : i32
      %mul3A_193 = arith.constant 17640 : i32
      %mul3A_194 = arith.muli %add3A_192, %mul3A_193 : i32
      %sub3A_195 = arith.constant 8 : i32
      %sub3A_196 = arith.subi %mul3A_194, %sub3A_195 : i32
      %max3A_197 = arith.maxsi %sub3A_196, %neg3A_16 : i32
      %min3A_198 = arith.minsi %max3A_197, %sub3A_17 : i32
      %sub3A_199 = arith.subi %min3A_198, %mul3A_15 : i32
      %and3A_200 = arith.constant -16 : i32
      %and3A_201 = arith.andi %sub3A_199, %and3A_200 : i32
      %add3A_202 = arith.addi %and3A_201, %mul3A_15 : i32
      %add3A_203 = arith.addi %mul3A_2, %add3A_202 : i32
      %multiple_of3A_204 = tpu.assume_multiple %add3A_203, 16 : i32
      %add3A_205 = arith.constant 0 : i32
      %add3A_206 = arith.addi %multiple_of3A_204, %add3A_205 : i32
      %multiple_of3A_207 = tpu.assume_multiple %add3A_206, 16 : i32
      %dma_start3A_208 = arith.constant 0 : i32
      %dma_start3A_209 = tpu.memref_slice %arg4[%dma_start3A_208] : memref<17664xf32, #tpu.memory_space<vmem>> -> memref<4416xf32, #tpu.memory_space<vmem>>
      %dma_start3A_210 = tpu.memref_slice %arg2[%multiple_of3A_207] : memref<14112000xf32, #tpu.memory_space<hbm>> -> memref<4416xf32, #tpu.memory_space<hbm>>
      %dma_start3A_211 = arith.constant 0 : i32
      %dma_start3A_212 = tpu.memref_slice %arg4[%dma_start3A_211] : memref<17664xf32, #tpu.memory_space<vmem>> -> memref<4416xf32, #tpu.memory_space<vmem>>
      %dma_start3A_213 = tpu.memref_slice %arg2[%multiple_of3A_207] : memref<14112000xf32, #tpu.memory_space<hbm>> -> memref<4416xf32, #tpu.memory_space<hbm>>
      tpu.enqueue_dma source(%dma_start3A_213 : memref<4416xf32, #tpu.memory_space<hbm>>) target(%dma_start3A_212 : memref<4416xf32, #tpu.memory_space<vmem>>) target_semaphore(%arg7 : memref<!tpu.dma_semaphore, #tpu.memory_space<semaphore_mem>>)
      %add3A_214 = arith.constant 4416 : i32
      %add3A_215 = arith.addi %multiple_of3A_204, %add3A_214 : i32
      %multiple_of3A_216 = tpu.assume_multiple %add3A_215, 16 : i32
      %dma_start3A_217 = arith.constant 4416 : i32
      %dma_start3A_218 = tpu.memref_slice %arg4[%dma_start3A_217] : memref<17664xf32, #tpu.memory_space<vmem>> -> memref<4416xf32, #tpu.memory_space<vmem>>
      %dma_start3A_219 = tpu.memref_slice %arg2[%multiple_of3A_216] : memref<14112000xf32, #tpu.memory_space<hbm>> -> memref<4416xf32, #tpu.memory_space<hbm>>
      %dma_start3A_220 = arith.constant 4416 : i32
      %dma_start3A_221 = tpu.memref_slice %arg4[%dma_start3A_220] : memref<17664xf32, #tpu.memory_space<vmem>> -> memref<4416xf32, #tpu.memory_space<vmem>>
      %dma_start3A_222 = tpu.memref_slice %arg2[%multiple_of3A_216] : memref<14112000xf32, #tpu.memory_space<hbm>> -> memref<4416xf32, #tpu.memory_space<hbm>>
      tpu.enqueue_dma source(%dma_start3A_222 : memref<4416xf32, #tpu.memory_space<hbm>>) target(%dma_start3A_221 : memref<4416xf32, #tpu.memory_space<vmem>>) target_semaphore(%arg8 : memref<!tpu.dma_semaphore, #tpu.memory_space<semaphore_mem>>)
      %add3A_223 = arith.constant 8832 : i32
      %add3A_224 = arith.addi %multiple_of3A_204, %add3A_223 : i32
      %multiple_of3A_225 = tpu.assume_multiple %add3A_224, 16 : i32
      %dma_start3A_226 = arith.constant 8832 : i32
      %dma_start3A_227 = tpu.memref_slice %arg4[%dma_start3A_226] : memref<17664xf32, #tpu.memory_space<vmem>> -> memref<4416xf32, #tpu.memory_space<vmem>>
      %dma_start3A_228 = tpu.memref_slice %arg2[%multiple_of3A_225] : memref<14112000xf32, #tpu.memory_space<hbm>> -> memref<4416xf32, #tpu.memory_space<hbm>>
      %dma_start3A_229 = arith.constant 8832 : i32
      %dma_start3A_230 = tpu.memref_slice %arg4[%dma_start3A_229] : memref<17664xf32, #tpu.memory_space<vmem>> -> memref<4416xf32, #tpu.memory_space<vmem>>
      %dma_start3A_231 = tpu.memref_slice %arg2[%multiple_of3A_225] : memref<14112000xf32, #tpu.memory_space<hbm>> -> memref<4416xf32, #tpu.memory_space<hbm>>
      tpu.enqueue_dma source(%dma_start3A_231 : memref<4416xf32, #tpu.memory_space<hbm>>) target(%dma_start3A_230 : memref<4416xf32, #tpu.memory_space<vmem>>) target_semaphore(%arg9 : memref<!tpu.dma_semaphore, #tpu.memory_space<semaphore_mem>>)
      %add3A_232 = arith.constant 13248 : i32
      %add3A_233 = arith.addi %multiple_of3A_204, %add3A_232 : i32
      %multiple_of3A_234 = tpu.assume_multiple %add3A_233, 16 : i32
      %dma_start3A_235 = arith.constant 13248 : i32
      %dma_start3A_236 = tpu.memref_slice %arg4[%dma_start3A_235] : memref<17664xf32, #tpu.memory_space<vmem>> -> memref<4416xf32, #tpu.memory_space<vmem>>
      %dma_start3A_237 = tpu.memref_slice %arg2[%multiple_of3A_234] : memref<14112000xf32, #tpu.memory_space<hbm>> -> memref<4416xf32, #tpu.memory_space<hbm>>
      %dma_start3A_238 = arith.constant 13248 : i32
      %dma_start3A_239 = tpu.memref_slice %arg4[%dma_start3A_238] : memref<17664xf32, #tpu.memory_space<vmem>> -> memref<4416xf32, #tpu.memory_space<vmem>>
      %dma_start3A_240 = tpu.memref_slice %arg2[%multiple_of3A_234] : memref<14112000xf32, #tpu.memory_space<hbm>> -> memref<4416xf32, #tpu.memory_space<hbm>>
      tpu.enqueue_dma source(%dma_start3A_240 : memref<4416xf32, #tpu.memory_space<hbm>>) target(%dma_start3A_239 : memref<4416xf32, #tpu.memory_space<vmem>>) target_semaphore(%arg10 : memref<!tpu.dma_semaphore, #tpu.memory_space<semaphore_mem>>)
      %add3A_241 = arith.constant 1 : i32
      %add3A_242 = arith.addi %add3A_164, %add3A_241 : i32
      %dma_wait3A_243 = arith.constant 0 : i32
      %dma_wait3A_244 = tpu.memref_slice %arg5[%dma_wait3A_243] : memref<17664xf32, #tpu.memory_space<vmem>> -> memref<4416xf32, #tpu.memory_space<vmem>>
      %dma_wait3A_245 = tpu.memref_slice %arg2[%mul3A_2] : memref<14112000xf32, #tpu.memory_space<hbm>> -> memref<4416xf32, #tpu.memory_space<hbm>>
      %dma_wait3A_246 = arith.constant 0 : i32
      %dma_wait3A_247 = tpu.memref_slice %arg5[%dma_wait3A_246] : memref<17664xf32, #tpu.memory_space<vmem>> -> memref<4416xf32, #tpu.memory_space<vmem>>
      %dma_wait3A_248 = tpu.memref_slice %arg2[%mul3A_2] : memref<14112000xf32, #tpu.memory_space<hbm>> -> memref<4416xf32, #tpu.memory_space<hbm>>
      tpu.wait_dma2 semaphore(%arg11 : memref<!tpu.dma_semaphore, #tpu.memory_space<semaphore_mem>>) src(%dma_wait3A_248 : memref<4416xf32, #tpu.memory_space<hbm>>) dst(%dma_wait3A_247 : memref<4416xf32, #tpu.memory_space<vmem>>)
      %dma_wait3A_249 = arith.constant 4416 : i32
      %dma_wait3A_250 = tpu.memref_slice %arg5[%dma_wait3A_249] : memref<17664xf32, #tpu.memory_space<vmem>> -> memref<4416xf32, #tpu.memory_space<vmem>>
      %dma_wait3A_251 = tpu.memref_slice %arg2[%mul3A_2] : memref<14112000xf32, #tpu.memory_space<hbm>> -> memref<4416xf32, #tpu.memory_space<hbm>>
      %dma_wait3A_252 = arith.constant 4416 : i32
      %dma_wait3A_253 = tpu.memref_slice %arg5[%dma_wait3A_252] : memref<17664xf32, #tpu.memory_space<vmem>> -> memref<4416xf32, #tpu.memory_space<vmem>>
      %dma_wait3A_254 = tpu.memref_slice %arg2[%mul3A_2] : memref<14112000xf32, #tpu.memory_space<hbm>> -> memref<4416xf32, #tpu.memory_space<hbm>>
      tpu.wait_dma2 semaphore(%arg12 : memref<!tpu.dma_semaphore, #tpu.memory_space<semaphore_mem>>) src(%dma_wait3A_254 : memref<4416xf32, #tpu.memory_space<hbm>>) dst(%dma_wait3A_253 : memref<4416xf32, #tpu.memory_space<vmem>>)
      %dma_wait3A_255 = arith.constant 8832 : i32
      %dma_wait3A_256 = tpu.memref_slice %arg5[%dma_wait3A_255] : memref<17664xf32, #tpu.memory_space<vmem>> -> memref<4416xf32, #tpu.memory_space<vmem>>
      %dma_wait3A_257 = tpu.memref_slice %arg2[%mul3A_2] : memref<14112000xf32, #tpu.memory_space<hbm>> -> memref<4416xf32, #tpu.memory_space<hbm>>
      %dma_wait3A_258 = arith.constant 8832 : i32
      %dma_wait3A_259 = tpu.memref_slice %arg5[%dma_wait3A_258] : memref<17664xf32, #tpu.memory_space<vmem>> -> memref<4416xf32, #tpu.memory_space<vmem>>
      %dma_wait3A_260 = tpu.memref_slice %arg2[%mul3A_2] : memref<14112000xf32, #tpu.memory_space<hbm>> -> memref<4416xf32, #tpu.memory_space<hbm>>
      tpu.wait_dma2 semaphore(%arg13 : memref<!tpu.dma_semaphore, #tpu.memory_space<semaphore_mem>>) src(%dma_wait3A_260 : memref<4416xf32, #tpu.memory_space<hbm>>) dst(%dma_wait3A_259 : memref<4416xf32, #tpu.memory_space<vmem>>)
      %dma_wait3A_261 = arith.constant 13248 : i32
      %dma_wait3A_262 = tpu.memref_slice %arg5[%dma_wait3A_261] : memref<17664xf32, #tpu.memory_space<vmem>> -> memref<4416xf32, #tpu.memory_space<vmem>>
      %dma_wait3A_263 = tpu.memref_slice %arg2[%mul3A_2] : memref<14112000xf32, #tpu.memory_space<hbm>> -> memref<4416xf32, #tpu.memory_space<hbm>>
      %dma_wait3A_264 = arith.constant 13248 : i32
      %dma_wait3A_265 = tpu.memref_slice %arg5[%dma_wait3A_264] : memref<17664xf32, #tpu.memory_space<vmem>> -> memref<4416xf32, #tpu.memory_space<vmem>>
      %dma_wait3A_266 = tpu.memref_slice %arg2[%mul3A_2] : memref<14112000xf32, #tpu.memory_space<hbm>> -> memref<4416xf32, #tpu.memory_space<hbm>>
      tpu.wait_dma2 semaphore(%arg14 : memref<!tpu.dma_semaphore, #tpu.memory_space<semaphore_mem>>) src(%dma_wait3A_266 : memref<4416xf32, #tpu.memory_space<hbm>>) dst(%dma_wait3A_265 : memref<4416xf32, #tpu.memory_space<vmem>>)
      %add3A_267 = arith.constant 2 : i32
      %add3A_268 = arith.addi %add3A_242, %add3A_267 : i32
      %mul3A_269 = arith.constant 17640 : i32
      %mul3A_270 = arith.muli %add3A_268, %mul3A_269 : i32
      %sub3A_271 = arith.constant 8 : i32
      %sub3A_272 = arith.subi %mul3A_270, %sub3A_271 : i32
      %max3A_273 = arith.maxsi %sub3A_272, %neg3A_16 : i32
      %min3A_274 = arith.minsi %max3A_273, %sub3A_17 : i32
      %sub3A_275 = arith.subi %min3A_274, %mul3A_15 : i32
      %and3A_276 = arith.constant -16 : i32
      %and3A_277 = arith.andi %sub3A_275, %and3A_276 : i32
      %add3A_278 = arith.addi %and3A_277, %mul3A_15 : i32
      %add3A_279 = arith.addi %mul3A_2, %add3A_278 : i32
      %multiple_of3A_280 = tpu.assume_multiple %add3A_279, 16 : i32
      %add3A_281 = arith.constant 0 : i32
      %add3A_282 = arith.addi %multiple_of3A_280, %add3A_281 : i32
      %multiple_of3A_283 = tpu.assume_multiple %add3A_282, 16 : i32
      %dma_start3A_284 = arith.constant 0 : i32
      %dma_start3A_285 = tpu.memref_slice %arg5[%dma_start3A_284] : memref<17664xf32, #tpu.memory_space<vmem>> -> memref<4416xf32, #tpu.memory_space<vmem>>
      %dma_start3A_286 = tpu.memref_slice %arg2[%multiple_of3A_283] : memref<14112000xf32, #tpu.memory_space<hbm>> -> memref<4416xf32, #tpu.memory_space<hbm>>
      %dma_start3A_287 = arith.constant 0 : i32
      %dma_start3A_288 = tpu.memref_slice %arg5[%dma_start3A_287] : memref<17664xf32, #tpu.memory_space<vmem>> -> memref<4416xf32, #tpu.memory_space<vmem>>
      %dma_start3A_289 = tpu.memref_slice %arg2[%multiple_of3A_283] : memref<14112000xf32, #tpu.memory_space<hbm>> -> memref<4416xf32, #tpu.memory_space<hbm>>
      tpu.enqueue_dma source(%dma_start3A_289 : memref<4416xf32, #tpu.memory_space<hbm>>) target(%dma_start3A_288 : memref<4416xf32, #tpu.memory_space<vmem>>) target_semaphore(%arg11 : memref<!tpu.dma_semaphore, #tpu.memory_space<semaphore_mem>>)
      %add3A_290 = arith.constant 4416 : i32
      %add3A_291 = arith.addi %multiple_of3A_280, %add3A_290 : i32
      %multiple_of3A_292 = tpu.assume_multiple %add3A_291, 16 : i32
      %dma_start3A_293 = arith.constant 4416 : i32
      %dma_start3A_294 = tpu.memref_slice %arg5[%dma_start3A_293] : memref<17664xf32, #tpu.memory_space<vmem>> -> memref<4416xf32, #tpu.memory_space<vmem>>
      %dma_start3A_295 = tpu.memref_slice %arg2[%multiple_of3A_292] : memref<14112000xf32, #tpu.memory_space<hbm>> -> memref<4416xf32, #tpu.memory_space<hbm>>
      %dma_start3A_296 = arith.constant 4416 : i32
      %dma_start3A_297 = tpu.memref_slice %arg5[%dma_start3A_296] : memref<17664xf32, #tpu.memory_space<vmem>> -> memref<4416xf32, #tpu.memory_space<vmem>>
      %dma_start3A_298 = tpu.memref_slice %arg2[%multiple_of3A_292] : memref<14112000xf32, #tpu.memory_space<hbm>> -> memref<4416xf32, #tpu.memory_space<hbm>>
      tpu.enqueue_dma source(%dma_start3A_298 : memref<4416xf32, #tpu.memory_space<hbm>>) target(%dma_start3A_297 : memref<4416xf32, #tpu.memory_space<vmem>>) target_semaphore(%arg12 : memref<!tpu.dma_semaphore, #tpu.memory_space<semaphore_mem>>)
      %add3A_299 = arith.constant 8832 : i32
      %add3A_300 = arith.addi %multiple_of3A_280, %add3A_299 : i32
      %multiple_of3A_301 = tpu.assume_multiple %add3A_300, 16 : i32
      %dma_start3A_302 = arith.constant 8832 : i32
      %dma_start3A_303 = tpu.memref_slice %arg5[%dma_start3A_302] : memref<17664xf32, #tpu.memory_space<vmem>> -> memref<4416xf32, #tpu.memory_space<vmem>>
      %dma_start3A_304 = tpu.memref_slice %arg2[%multiple_of3A_301] : memref<14112000xf32, #tpu.memory_space<hbm>> -> memref<4416xf32, #tpu.memory_space<hbm>>
      %dma_start3A_305 = arith.constant 8832 : i32
      %dma_start3A_306 = tpu.memref_slice %arg5[%dma_start3A_305] : memref<17664xf32, #tpu.memory_space<vmem>> -> memref<4416xf32, #tpu.memory_space<vmem>>
      %dma_start3A_307 = tpu.memref_slice %arg2[%multiple_of3A_301] : memref<14112000xf32, #tpu.memory_space<hbm>> -> memref<4416xf32, #tpu.memory_space<hbm>>
      tpu.enqueue_dma source(%dma_start3A_307 : memref<4416xf32, #tpu.memory_space<hbm>>) target(%dma_start3A_306 : memref<4416xf32, #tpu.memory_space<vmem>>) target_semaphore(%arg13 : memref<!tpu.dma_semaphore, #tpu.memory_space<semaphore_mem>>)
      %add3A_308 = arith.constant 13248 : i32
      %add3A_309 = arith.addi %multiple_of3A_280, %add3A_308 : i32
      %multiple_of3A_310 = tpu.assume_multiple %add3A_309, 16 : i32
      %dma_start3A_311 = arith.constant 13248 : i32
      %dma_start3A_312 = tpu.memref_slice %arg5[%dma_start3A_311] : memref<17664xf32, #tpu.memory_space<vmem>> -> memref<4416xf32, #tpu.memory_space<vmem>>
      %dma_start3A_313 = tpu.memref_slice %arg2[%multiple_of3A_310] : memref<14112000xf32, #tpu.memory_space<hbm>> -> memref<4416xf32, #tpu.memory_space<hbm>>
      %dma_start3A_314 = arith.constant 13248 : i32
      %dma_start3A_315 = tpu.memref_slice %arg5[%dma_start3A_314] : memref<17664xf32, #tpu.memory_space<vmem>> -> memref<4416xf32, #tpu.memory_space<vmem>>
      %dma_start3A_316 = tpu.memref_slice %arg2[%multiple_of3A_310] : memref<14112000xf32, #tpu.memory_space<hbm>> -> memref<4416xf32, #tpu.memory_space<hbm>>
      tpu.enqueue_dma source(%dma_start3A_316 : memref<4416xf32, #tpu.memory_space<hbm>>) target(%dma_start3A_315 : memref<4416xf32, #tpu.memory_space<vmem>>) target_semaphore(%arg14 : memref<!tpu.dma_semaphore, #tpu.memory_space<semaphore_mem>>)
    }
    %scan3A_108 = arith.constant 13 : i32
    %dma_wait3A = arith.constant 0 : i32
    %dma_wait3A_109 = tpu.memref_slice %arg4[%dma_wait3A] : memref<17664xf32, #tpu.memory_space<vmem>> -> memref<4416xf32, #tpu.memory_space<vmem>>
    %dma_wait3A_110 = tpu.memref_slice %arg2[%mul3A_2] : memref<14112000xf32, #tpu.memory_space<hbm>> -> memref<4416xf32, #tpu.memory_space<hbm>>
    %dma_wait3A_111 = arith.constant 0 : i32
    %dma_wait3A_112 = tpu.memref_slice %arg4[%dma_wait3A_111] : memref<17664xf32, #tpu.memory_space<vmem>> -> memref<4416xf32, #tpu.memory_space<vmem>>
    %dma_wait3A_113 = tpu.memref_slice %arg2[%mul3A_2] : memref<14112000xf32, #tpu.memory_space<hbm>> -> memref<4416xf32, #tpu.memory_space<hbm>>
    tpu.wait_dma2 semaphore(%arg7 : memref<!tpu.dma_semaphore, #tpu.memory_space<semaphore_mem>>) src(%dma_wait3A_113 : memref<4416xf32, #tpu.memory_space<hbm>>) dst(%dma_wait3A_112 : memref<4416xf32, #tpu.memory_space<vmem>>)
    %dma_wait3A_114 = arith.constant 4416 : i32
    %dma_wait3A_115 = tpu.memref_slice %arg4[%dma_wait3A_114] : memref<17664xf32, #tpu.memory_space<vmem>> -> memref<4416xf32, #tpu.memory_space<vmem>>
    %dma_wait3A_116 = tpu.memref_slice %arg2[%mul3A_2] : memref<14112000xf32, #tpu.memory_space<hbm>> -> memref<4416xf32, #tpu.memory_space<hbm>>
    %dma_wait3A_117 = arith.constant 4416 : i32
    %dma_wait3A_118 = tpu.memref_slice %arg4[%dma_wait3A_117] : memref<17664xf32, #tpu.memory_space<vmem>> -> memref<4416xf32, #tpu.memory_space<vmem>>
    %dma_wait3A_119 = tpu.memref_slice %arg2[%mul3A_2] : memref<14112000xf32, #tpu.memory_space<hbm>> -> memref<4416xf32, #tpu.memory_space<hbm>>
    tpu.wait_dma2 semaphore(%arg8 : memref<!tpu.dma_semaphore, #tpu.memory_space<semaphore_mem>>) src(%dma_wait3A_119 : memref<4416xf32, #tpu.memory_space<hbm>>) dst(%dma_wait3A_118 : memref<4416xf32, #tpu.memory_space<vmem>>)
    %dma_wait3A_120 = arith.constant 8832 : i32
    %dma_wait3A_121 = tpu.memref_slice %arg4[%dma_wait3A_120] : memref<17664xf32, #tpu.memory_space<vmem>> -> memref<4416xf32, #tpu.memory_space<vmem>>
    %dma_wait3A_122 = tpu.memref_slice %arg2[%mul3A_2] : memref<14112000xf32, #tpu.memory_space<hbm>> -> memref<4416xf32, #tpu.memory_space<hbm>>
    %dma_wait3A_123 = arith.constant 8832 : i32
    %dma_wait3A_124 = tpu.memref_slice %arg4[%dma_wait3A_123] : memref<17664xf32, #tpu.memory_space<vmem>> -> memref<4416xf32, #tpu.memory_space<vmem>>
    %dma_wait3A_125 = tpu.memref_slice %arg2[%mul3A_2] : memref<14112000xf32, #tpu.memory_space<hbm>> -> memref<4416xf32, #tpu.memory_space<hbm>>
    tpu.wait_dma2 semaphore(%arg9 : memref<!tpu.dma_semaphore, #tpu.memory_space<semaphore_mem>>) src(%dma_wait3A_125 : memref<4416xf32, #tpu.memory_space<hbm>>) dst(%dma_wait3A_124 : memref<4416xf32, #tpu.memory_space<vmem>>)
    %dma_wait3A_126 = arith.constant 13248 : i32
    %dma_wait3A_127 = tpu.memref_slice %arg4[%dma_wait3A_126] : memref<17664xf32, #tpu.memory_space<vmem>> -> memref<4416xf32, #tpu.memory_space<vmem>>
    %dma_wait3A_128 = tpu.memref_slice %arg2[%mul3A_2] : memref<14112000xf32, #tpu.memory_space<hbm>> -> memref<4416xf32, #tpu.memory_space<hbm>>
    %dma_wait3A_129 = arith.constant 13248 : i32
    %dma_wait3A_130 = tpu.memref_slice %arg4[%dma_wait3A_129] : memref<17664xf32, #tpu.memory_space<vmem>> -> memref<4416xf32, #tpu.memory_space<vmem>>
    %dma_wait3A_131 = tpu.memref_slice %arg2[%mul3A_2] : memref<14112000xf32, #tpu.memory_space<hbm>> -> memref<4416xf32, #tpu.memory_space<hbm>>
    tpu.wait_dma2 semaphore(%arg10 : memref<!tpu.dma_semaphore, #tpu.memory_space<semaphore_mem>>) src(%dma_wait3A_131 : memref<4416xf32, #tpu.memory_space<hbm>>) dst(%dma_wait3A_130 : memref<4416xf32, #tpu.memory_space<vmem>>)
    %dma_start3A_132 = tpu.memref_slice %arg3[%multiple_of3A] : memref<5120000xf32, #tpu.memory_space<hbm>> -> memref<6400xf32, #tpu.memory_space<hbm>>
    %dma_start3A_133 = tpu.memref_slice %arg3[%multiple_of3A] : memref<5120000xf32, #tpu.memory_space<hbm>> -> memref<6400xf32, #tpu.memory_space<hbm>>
    tpu.enqueue_dma source(%arg6 : memref<6400xf32, #tpu.memory_space<vmem>>) target(%dma_start3A_133 : memref<6400xf32, #tpu.memory_space<hbm>>) target_semaphore(%arg15 : memref<!tpu.dma_semaphore, #tpu.memory_space<semaphore_mem>>)
    %dma_wait3A_134 = tpu.memref_slice %arg3[%multiple_of3A] : memref<5120000xf32, #tpu.memory_space<hbm>> -> memref<6400xf32, #tpu.memory_space<hbm>>
    %dma_wait3A_135 = tpu.memref_slice %arg3[%multiple_of3A] : memref<5120000xf32, #tpu.memory_space<hbm>> -> memref<6400xf32, #tpu.memory_space<hbm>>
    tpu.wait_dma2 semaphore(%arg15 : memref<!tpu.dma_semaphore, #tpu.memory_space<semaphore_mem>>) src(%arg6 : memref<6400xf32, #tpu.memory_space<vmem>>) dst(%dma_wait3A_135 : memref<6400xf32, #tpu.memory_space<hbm>>)
    %dma_wait3A_136 = arith.constant 0 : i32
    %dma_wait3A_137 = tpu.memref_slice %arg5[%dma_wait3A_136] : memref<17664xf32, #tpu.memory_space<vmem>> -> memref<4416xf32, #tpu.memory_space<vmem>>
    %dma_wait3A_138 = tpu.memref_slice %arg2[%mul3A_2] : memref<14112000xf32, #tpu.memory_space<hbm>> -> memref<4416xf32, #tpu.memory_space<hbm>>
    %dma_wait3A_139 = arith.constant 0 : i32
    %dma_wait3A_140 = tpu.memref_slice %arg5[%dma_wait3A_139] : memref<17664xf32, #tpu.memory_space<vmem>> -> memref<4416xf32, #tpu.memory_space<vmem>>
    %dma_wait3A_141 = tpu.memref_slice %arg2[%mul3A_2] : memref<14112000xf32, #tpu.memory_space<hbm>> -> memref<4416xf32, #tpu.memory_space<hbm>>
    tpu.wait_dma2 semaphore(%arg11 : memref<!tpu.dma_semaphore, #tpu.memory_space<semaphore_mem>>) src(%dma_wait3A_141 : memref<4416xf32, #tpu.memory_space<hbm>>) dst(%dma_wait3A_140 : memref<4416xf32, #tpu.memory_space<vmem>>)
    %dma_wait3A_142 = arith.constant 4416 : i32
    %dma_wait3A_143 = tpu.memref_slice %arg5[%dma_wait3A_142] : memref<17664xf32, #tpu.memory_space<vmem>> -> memref<4416xf32, #tpu.memory_space<vmem>>
    %dma_wait3A_144 = tpu.memref_slice %arg2[%mul3A_2] : memref<14112000xf32, #tpu.memory_space<hbm>> -> memref<4416xf32, #tpu.memory_space<hbm>>
    %dma_wait3A_145 = arith.constant 4416 : i32
    %dma_wait3A_146 = tpu.memref_slice %arg5[%dma_wait3A_145] : memref<17664xf32, #tpu.memory_space<vmem>> -> memref<4416xf32, #tpu.memory_space<vmem>>
    %dma_wait3A_147 = tpu.memref_slice %arg2[%mul3A_2] : memref<14112000xf32, #tpu.memory_space<hbm>> -> memref<4416xf32, #tpu.memory_space<hbm>>
    tpu.wait_dma2 semaphore(%arg12 : memref<!tpu.dma_semaphore, #tpu.memory_space<semaphore_mem>>) src(%dma_wait3A_147 : memref<4416xf32, #tpu.memory_space<hbm>>) dst(%dma_wait3A_146 : memref<4416xf32, #tpu.memory_space<vmem>>)
    %dma_wait3A_148 = arith.constant 8832 : i32
    %dma_wait3A_149 = tpu.memref_slice %arg5[%dma_wait3A_148] : memref<17664xf32, #tpu.memory_space<vmem>> -> memref<4416xf32, #tpu.memory_space<vmem>>
    %dma_wait3A_150 = tpu.memref_slice %arg2[%mul3A_2] : memref<14112000xf32, #tpu.memory_space<hbm>> -> memref<4416xf32, #tpu.memory_space<hbm>>
    %dma_wait3A_151 = arith.constant 8832 : i32
    %dma_wait3A_152 = tpu.memref_slice %arg5[%dma_wait3A_151] : memref<17664xf32, #tpu.memory_space<vmem>> -> memref<4416xf32, #tpu.memory_space<vmem>>
    %dma_wait3A_153 = tpu.memref_slice %arg2[%mul3A_2] : memref<14112000xf32, #tpu.memory_space<hbm>> -> memref<4416xf32, #tpu.memory_space<hbm>>
    tpu.wait_dma2 semaphore(%arg13 : memref<!tpu.dma_semaphore, #tpu.memory_space<semaphore_mem>>) src(%dma_wait3A_153 : memref<4416xf32, #tpu.memory_space<hbm>>) dst(%dma_wait3A_152 : memref<4416xf32, #tpu.memory_space<vmem>>)
    %dma_wait3A_154 = arith.constant 13248 : i32
    %dma_wait3A_155 = tpu.memref_slice %arg5[%dma_wait3A_154] : memref<17664xf32, #tpu.memory_space<vmem>> -> memref<4416xf32, #tpu.memory_space<vmem>>
    %dma_wait3A_156 = tpu.memref_slice %arg2[%mul3A_2] : memref<14112000xf32, #tpu.memory_space<hbm>> -> memref<4416xf32, #tpu.memory_space<hbm>>
    %dma_wait3A_157 = arith.constant 13248 : i32
    %dma_wait3A_158 = tpu.memref_slice %arg5[%dma_wait3A_157] : memref<17664xf32, #tpu.memory_space<vmem>> -> memref<4416xf32, #tpu.memory_space<vmem>>
    %dma_wait3A_159 = tpu.memref_slice %arg2[%mul3A_2] : memref<14112000xf32, #tpu.memory_space<hbm>> -> memref<4416xf32, #tpu.memory_space<hbm>>
    tpu.wait_dma2 semaphore(%arg14 : memref<!tpu.dma_semaphore, #tpu.memory_space<semaphore_mem>>) src(%dma_wait3A_159 : memref<4416xf32, #tpu.memory_space<hbm>>) dst(%dma_wait3A_158 : memref<4416xf32, #tpu.memory_space<vmem>>)
    return
  }
}

</mosaic_0001>

<sc_bundles>
// kernel: kernel.3.cloned.1.call-start
scs
__scs_entry_jumppad:
0x0: {  	(pc) =	sbr.rel $0x88, $3  }
0x1: {  	(tag) =	ssettag $0x0;
	lr =	simm.s32 $0x1  }
0x2: {  	[smem:$0x3FA0] =	sst lr;
	_ =	strace $0xD0000000  }
0x3: {  	_ = 	snop  }
0x4: {  	_ = 	snop  }
0x5: {  	_ = 	snop  }
0x6: {  	_ = 	snop  }
0x7: {  	_ = 	snop  }
__scs_overlays_trampoline_lowered:
0x8: {  	[smem:$0x3FAF] =	sst s0  }
0x9: {  	[smem:$0x3FB0] =	sst s1  }
0xa: {  	[smem:$0x3FB1] =	sst s2  }
0xb: {  	[smem:$0x3FB2] =	sst s3  }
0xc: {  	[smem:$0x3FB3] =	sst s4  }
0xd: {  	[smem:$0x3FB4] =	sst s5  }
0xe: {  	[smem:$0x3FB5] =	sst s6  }
0xf: {  	[smem:$0x3FB6] =	sst s7  }
0x10: {  	[smem:$0x3FB7] =	sst s8  }
0x11: {  	[smem:$0x3FB8] =	sst s9;
	s0 =	simm.s32 @!p0 $0x0  }
0x12: {  	s1 =	sld [smem:$0x3F9E];
	s0 =	simm.s32 @p0 $0x1  }
0x13: {  	[smem:$0x3FB9] =	sst s0;
	s0 =	simm.s32 @!p1 $0x0  }
0x14: {  	s2 =	sld [smem:$0x3F9D];
	s0 =	simm.s32 @p1 $0x1  }
0x15: {  	[smem:$0x3FBA] =	sst s0;
	s0 =	simm.s32 @!p2 $0x0  }
0x16: {  	s3 =	sld [smem:$0x3FDB];
	s0 =	simm.s32 @p2 $0x1  }
0x17: {  	s4 =	simm.s32 $0x1BF5;
	[smem:$0x3FBC] =	sst s0  }
0x18: {  	s0 =	sld [smem:$0x3F9F];
	_ =	swait.ge [sflag:s4], $0x0  }
0x19: {  	s7 =	sld [smem:$0x3FA0]  }
0x1a: {  	s8 =	sadd.s32 $0xFFFFE003, lr  }
0x1b: {  	s9 =	sadd.s32 $0xFFFFFEF7, lr;
	s5 =	simm.s32 $0xFFFFFFFF;
	p2 =	slt.u32 s8, $0xFFFFF086  }
0x1c: {  	p1 =	slt.u32 s9, $0xF7A;
	s5 =	simm.s32 @!p2 $0x0  }
0x1d: {  	s5 =	simm.s32 @p1 $0x1;
	p0 =	seq.s32 s7, s2  }
0x1e: {  	s7 =	smul.u32 @!p0 $0xF7A, s2;
	p2 =	seq.s32 @!p0 s5, $0x0  }
0x1f: {  	s9 =	smul.u32 $0xF7A, s1;
	s8 =	simm.s32 @!p0 $0x1BF5;
	p2 =	por !p2, p0  }
0x20: {  	[sflag:s8] =	ssyncset.s32 @!p0 $0xFFFFF086;
	s6 =	sadd.s32 @!p0 s3, s7;
	s7 =	simm.s32 @!p0 $0x108  }
0x21: {  	s3 =	sadd.s32 s3, s9;
	s6 =	sadd.s32 @!p0 $0x88, s6;
	s7 =	simm.s32 @p2 $0x1082  }
0x22: {  	[simem:s7], [sflag:s8] =	dma.local @!p0 [hbm:s6], $0xF7A  }
0x23: {  	s9 =	sor.u32 $0xD0000000, s2;
	s6 =	simm.s32 $0x108;
	_ =	swait.ge @!p0 [sflag:s8], $0x0  }
0x24: {  	s3 =	sadd.s32 $0x88, s3;
	s6 =	simm.s32 @!p1 $0x1082;
	[sflag:s4] =	ssyncset.s32 $0xFFFFF086  }
0x25: {  	[simem:s6], [sflag:s4] =	dma.local [hbm:s3], $0xF7A  }
0x26: {  	[smem:$0x3FA0] =	sst s1;
	(tag) =	ssettag s2;
	_ =	strace s9  }
0x27: {  	s1 =	sld [smem:$0x3FB0]  }
0x28: {  	s2 =	sld [smem:$0x3FB1]  }
0x29: {  	s4 =	sld [smem:$0x3FB3]  }
0x2a: {  	p0 =	seq.s32 s5, $0x0;
	s5 =	sld [smem:$0x3FB4]  }
0x2b: {  	s6 =	sld [smem:$0x3FB5]  }
0x2c: {  	s7 =	sld [smem:$0x3FB6]  }
0x2d: {  	s3 =	simm.s32 $0x108;
	s8 =	sld [smem:$0x3FB7]  }
0x2e: {  	s3 =	simm.s32 @!p0 $0x1082;
	s9 =	sld [smem:$0x3FB8]  }
0x2f: {  	lr =	sadd.s32 s0, s3;
	s0 =	sld [smem:$0x3FAF]  }
0x30: {  	s3 =	sld [smem:$0x3FB2]  }
0x31: {  	[smem:$0x3FBB] =	sst s10  }
0x32: {  	s10 =	sld [smem:$0x3FB9];
	_ =	sdelay $0x3  }
0x33: {  	p0 =	seq.s32 s10, $0x1;
	s10 =	sld [smem:$0x3FBB];
	_ =	sdelay $0x3  }
0x34: {  	[smem:$0x3FBB] =	sst s10  }
0x35: {  	s10 =	sld [smem:$0x3FBA];
	_ =	sdelay $0x3  }
0x36: {  	p1 =	seq.s32 s10, $0x1;
	s10 =	sld [smem:$0x3FBB];
	_ =	sdelay $0x3  }
0x37: {  	[smem:$0x3FBB] =	sst s10  }
0x38: {  	s10 =	sld [smem:$0x3FBC]  }
0x39: {  	_ = 	snop;
	(pc) =	sbr.ind lr, $3  }
0x3a: {  	_ = 	snop  }
0x3b: {  	_ = 	snop  }
0x3c: {  	p2 =	seq.s32 s10, $0x1;
	s10 =	sld [smem:$0x3FBB]  }
0x3d: {  	_ =	shalt  }
0x3e: {  	_ =	shalt  }
0x3f: {  	_ =	shalt  }
0x40: {  	_ =	shalt  }
0x41: {  	_ =	shalt  }
0x42: {  	_ =	shalt  }
0x43: {  	_ =	shalt  }
0x44: {  	_ =	shalt  }
0x45: {  	_ =	shalt  }
0x46: {  	_ =	shalt  }
0x47: {  	_ =	shalt  }
0x48: {  	_ =	shalt  }
0x49: {  	_ =	shalt  }
0x4a: {  	_ =	shalt  }
0x4b: {  	_ =	shalt  }
0x4c: {  	_ =	shalt  }
0x4d: {  	_ =	shalt  }
0x4e: {  	_ =	shalt  }
0x4f: {  	_ =	shalt  }
0x50: {  	_ =	shalt  }
0x51: {  	_ =	shalt  }
0x52: {  	_ =	shalt  }
0x53: {  	_ =	shalt  }
0x54: {  	_ =	shalt  }
0x55: {  	_ =	shalt  }
0x56: {  	_ =	shalt  }
0x57: {  	_ =	shalt  }
0x58: {  	_ =	shalt  }
0x59: {  	_ =	shalt  }
0x5a: {  	_ =	shalt  }
0x5b: {  	_ =	shalt  }
0x5c: {  	_ =	shalt  }
0x5d: {  	_ =	shalt  }
0x5e: {  	_ =	shalt  }
0x5f: {  	_ =	shalt  }
0x60: {  	_ =	shalt  }
0x61: {  	_ =	shalt  }
0x62: {  	_ =	shalt  }
0x63: {  	_ =	shalt  }
0x64: {  	_ =	shalt  }
0x65: {  	_ =	shalt  }
0x66: {  	_ =	shalt  }
0x67: {  	_ =	shalt  }
0x68: {  	_ =	shalt  }
0x69: {  	_ =	shalt  }
0x6a: {  	_ =	shalt  }
0x6b: {  	_ =	shalt  }
0x6c: {  	_ =	shalt  }
0x6d: {  	_ =	shalt  }
0x6e: {  	_ =	shalt  }
0x6f: {  	_ =	shalt  }
0x70: {  	_ =	shalt  }
0x71: {  	_ =	shalt  }
0x72: {  	_ =	shalt  }
0x73: {  	_ =	shalt  }
0x74: {  	_ =	shalt  }
0x75: {  	_ =	shalt  }
0x76: {  	_ =	shalt  }
0x77: {  	_ =	shalt  }
0x78: {  	_ =	shalt  }
0x79: {  	_ =	shalt  }
0x7a: {  	_ =	shalt  }
0x7b: {  	_ =	shalt  }
0x7c: {  	_ =	shalt  }
0x7d: {  	_ =	shalt  }
0x7e: {  	_ =	shalt  }
0x7f: {  	_ =	shalt  }
0x80: {  	_ =	shalt  }
0x81: {  	_ =	shalt  }
0x82: {  	_ =	shalt  }
0x83: {  	_ =	shalt  }
0x84: {  	_ =	shalt  }
0x85: {  	_ =	shalt  }
0x86: {  	_ =	shalt  }
0x87: {  	_ =	shalt  }
.Lfunc_end0:
.L_simem_size_0:
called_computation_lowered:
.L_overlay_start_0:
0x88: {  	s2 =	sld [smem:$0x3FD9]  }
0x89: {  	s3 =	sld [smem:$0x3FFE];
	_ =	sdelay $0x1  }
0x8a: {  	s1 =	srdreg.scid  }
0x8b: {  	s0 =	sand.u32 $0x1, s1  }
0x8c: {  	s16 =	sshll.u32 s0, $0xA;
	s2 =	sadd.s32 s3, s2  }
0x8d: {  	s2 =	sadd.s32 s2, s16  }
0x8e: {  	[smem:$0x3FC7] =	sst s2  }
0x8f: {  	_ = 	snop  }
0x90: {  	(tm) =	ssettm $0x1  }
0x91: {  	s17 =	sld [smem:$0x3FFB];
	_ =	sdelay $0x3  }
0x92: {  	_ =	strace s17  }
0x93: {  	s2 =	sld [smem:$0x3FFC];
	_ =	sdelay $0x3  }
0x94: {  	_ =	strace s2  }
0x95: {  	s2 =	sld [smem:$0x3FFD];
	_ =	sdelay $0x3  }
0x96: {  	_ =	strace s2  }
0x97: {  	_ =	strace $0x8FFFFFFF  }
0x98: {  	s18 =	sld [smem:$0x3FDB];
	_ =	sdelay $0x1  }
0x99: {  	s19 =	simm.s32 $_scs_section_size  }
0x9a: {  	s4 =	simm.s32 $_size__tile_overlayer_lowered;
	s5 =	simm.s32 $_tile_overlayer_lowered  }
0x9b: {  	s22 =	simm.s32 $0x1BFF;
	s21 =	sshll.u32 s5, $0x1;
	s2 =	sadd.s32 s19, s18  }
0x9c: {  	s6 =	simm.s32 $0x0;
	s20 =	sshll.u32 s4, $0x1;
	s4 =	sadd.s32 s21, s2  }
0x9d: {  	[timem:s6], [sflag:s22] =	dma.local [hbm:s4], s20  }
0x9e: {  	_ =	swait.ge [sflag:s22], s20  }
0x9f: {  	s3 =	ssub.s32 $0x0, s20;
	[sflag:s22] =	ssyncset.done $0x0  }
0xa0: {  	[sflag:s22] =	ssyncadd.s32 s3;
	_ =	sdelay $0x1  }
0xa1: {  	s23 =	simm.s32 $0x1B8B  }
0xa2: {  	_ =	swait.ge [sflag:s23], $0x1  }
0xa3: {  	[sflag:s23] =	ssyncset.done $0x0  }
0xa4: {  	s25 =	simm.s32 $0x1B8E;
	s24 =	sld [smem:$0x3FFE];
	[sflag:s23] =	ssyncadd.s32 $0xFFFFFFFF  }
0xa5: {  	s26 =	simm.s32 $execute0_lowered;
	[smem:$0x3FD2] =	sst s25  }
0xa6: {  	s4 =	sshll.u32 s26, $0x1;
	_ =	strace $0x80000046;
	[dreg:$0x1] =	wrdreg $0xFFFFFFFF  }
0xa7: {  	s28 =	simm.s32 $_size_execute0_lowered;
	s2 =	sadd.s32 s2, s4;
	[dreg:$0x0] =	wrdreg $0x0  }
0xa8: {  	s4 =	sshll.u32 s28, $0x1;
	[dreg:$0x2] =	wrdreg s2  }
0xa9: {  	[dreg:$0x3] =	wrdreg s4  }
0xaa: {  	[dreg:$0x4] =	wrdreg $0xC0  }
0xab: {  	_ =	task [dreg:s6], $0x5FFFF  }
0xac: {  	[dreg:$0x1] =	wrdreg $0xFFFFFFFF  }
0xad: {  	[dreg:$0x0] =	wrdreg $0x60  }
0xae: {  	[dreg:$0x2] =	wrdreg s24  }
0xaf: {  	[dreg:$0x3] =	wrdreg $0x9  }
0xb0: {  	_ =	task.clear_ibuf [dreg:s6], $0x4FFFF;
	_ =	strace $0x90000046  }
0xb1: {  	s29 =	simm.s32 $0x9;
	_ =	strace $0x80000048  }
0xb2: {  	_ =	swait.ge [sflag:s29], $0x1  }
0xb3: {  	[sflag:s29] =	ssyncadd.s32 $0xFFFFFFFF  }
0xb4: {  	_ =	strace $0x90000048  }
0xb5: {  	_ =	sfence  }
0xb6: {  	s30 =	sld [smem:$0x0];
	_ =	sdelay $0x2  }
0xb7: {  	s31 =	sshll.u32 s1, $0xD;
	s1 =	sshrl.u32 s1, $0x2  }
0xb8: {  	s3 =	sand.u32 $0x4000, s31;
	s1 =	sadd.s32 s1, s30  }
0xb9: {  	s0 =	sor.u32 s3, s0;
	s1 =	sshll.u32 s1, $0x11  }
0xba: {  	s0 =	sor.u32 s1, s0  }
0xbb: {  	s0 =	sadd.s32 $0x8F2B, s0  }
0xbc: {  	[sflag:s0] =	ssyncadd.remote.s32 $0x1  }
0xbd: {  	_ =	sfence.sel $0xFFFF  }
0xbe: {  	[dreg:$0x0] =	wrdreg $0xFFFFFFFF;
	(pc) =	sbr.abs _section_cstart, $3  }
0xbf: {  	[dreg:$0x1] =	wrdreg $0xFFFFFFFF  }
0xc0: {  	_ =	task.clear_ibuf [dreg:s6], $0x2FFFF;
	_ =	strace $0x9FFFFFFF  }
0xc1: {  	(tm) =	ssettm $0x7FFFFFFF  }
tec
execute0_lowered:
.L_overlay_start_1:
0x0: {  	(tag) =	ssettag $0x1  }
0x1: {  	s0 =	rddreg [dreg:$0x0];
	s2 =	simm.s32 $0x0  }
0x2: {  	s1 =	srdreg.scid;
	s3 =	stileid.u32;
	s17 =	simm.s32 $0x1140  }
0x3: {  	s18 =	simm.s32 $0x2280;
	s28 =	simm.s32 $0x4;
	s29 =	simm.s32 $0x5  }
0x4: {  	s30 =	simm.s32 $0x6;
	s31 =	simm.s32 $0x7;
	[smem:$0x7FF] =	sst s2  }
0x5: {  	s1 =	sand.u32 $0x1, s1;
	s3 =	sshll.u32 s3, $0x1;
	_ =	strace $0x80000047  }
0x6: {  	s4 =	sor.u32 s1, s3;
	s6 =	ssub.s32 $0x2, s1;
	s3 =	sadd.s32 $0x600, s0  }
0x7: {  	s5 =	sshll.u32 s1, $0x3;
	s1 =	sshll.u32 s1, $0x4;
	s7 =	smul.u32 $0x4E20, s4  }
0x8: {  	s8 =	sshrl.u32 s6, $0x1;
	s4 =	smul.u32 $0x6BAA8, s4;
	s1 =	ssub.s32 s5, s1  }
0x9: {  	s12 =	ssub.s32 $0x675B0, s5;
	s20 =	ssub.s32 $0x44E0, s5;
	s19 =	ssub.s32 s6, s8  }
0xa: {  	s8 =	sand.u32 $0x44F0, s20;
	s20 =	simm.s32 $0x4500;
	s0 =	sadd.s32 s7, s0  }
0xb: {  	s1 =	sadd.s32 s4, s1;
	s8 =	sor.u32 s5, s8;
	s16 =	smax.u32 s19, $0x1  }
0xc: {  	s19 =	simm.s32 $0x33C0;
	s7 =	simm.s32 $0x0;
	s9 =	sshrl.u32 s1, $0x3  }
0xd: {  	s10 =	sadd.s32 $0x1140, s1;
	s24 =	sadd.s32 $0x2280, s1;
	s8 =	sadd.s32 s4, s8  }
0xe: {  	s1 =	sadd.s32 $0x33C0, s1;
	s15 =	sadd.s32 $0x1AF200, s0;
	s0 =	simm.s32 $0x8  }
0xf: {  	s21 =	sadd.s32 s3, s9;
	s22 =	sshrl.u32 s10, $0x3;
	s9 =	sshrl.u32 s24, $0x3  }
0x10: {  	s8 =	sshrl.u32 s8, $0x3;
	s1 =	sshrl.u32 s1, $0x3;
	s24 =	simm.s32 $0x1  }
0x11: {  	[dreg:$0x2] =	wrdreg s21;
	s23 =	sadd.s32 s3, s22;
	s25 =	sadd.s32 s3, s9  }
0x12: {  	s10 =	sadd.s32 s3, s8;
	s1 =	sadd.s32 s3, s1;
	[dreg:$0x3] =	wrdreg s23  }
0x13: {  	s21 =	simm.s32 $0x5640;
	s22 =	simm.s32 $0x6780;
	[dreg:$0x4] =	wrdreg s25  }
0x14: {  	[dreg:$0x5] =	wrdreg s1;
	s26 =	sadd.s32 $0x228, s10;
	s13 =	sadd.s32 $0x450, s10  }
0x15: {  	s14 =	sadd.s32 $0x678, s10;
	s23 =	simm.s32 $0x78C0;
	s25 =	simm.s32 $0x2  }
0x16: {  	s1 =	simm.s32 $0x9;
	[dreg:$0x6] =	wrdreg s26;
	s26 =	simm.s32 $0x3  }
.LBB2_1:
0x17: {  	s6 =	rddreg [dreg:$0x2]  }
0x18: {  	[tilespmem:s2], [sflag:$0x1] =	stream.linear.gather [hbm4b:s6+s2], $0x1140, $0x38;
	[tilespmem:$0xA300] =	vst v63  }
0x19: {  	s11 =	rddreg [dreg:$0x3]  }
0x1a: {  	[tilespmem:s17], [sflag:$0x2] =	stream.linear.gather [hbm4b:s11+s2], $0x1140, $0x38;
	[tilespmem:$0xA300] =	vst v63  }
0x1b: {  	s8 =	rddreg [dreg:$0x4]  }
0x1c: {  	[tilespmem:s18], [sflag:$0x3] =	stream.linear.gather [hbm4b:s8+s2], $0x1140, $0x38;
	[tilespmem:$0xA300] =	vst v63  }
0x1d: {  	s9 =	rddreg [dreg:$0x5]  }
0x1e: {  	[tilespmem:s19], [sflag:$0x4] =	stream.linear.gather [hbm4b:s9+s2], $0x1140, $0x38;
	[tilespmem:$0xA300] =	vst v63  }
0x1f: {  	_ = 	snop  }
0x20: {  	[tilespmem:s20], [sflag:$0x5] =	stream.linear.gather [hbm4b:s10+s2], $0x1140, $0x38;
	[tilespmem:$0xA300] =	vst v63  }
0x21: {  	s11 =	rddreg [dreg:$0x6]  }
0x22: {  	[tilespmem:s21], [sflag:$0x6] =	stream.linear.gather [hbm4b:s11+s2], $0x1140, $0x38;
	[tilespmem:$0xA300] =	vst v63  }
0x23: {  	_ = 	snop  }
0x24: {  	[tilespmem:s22], [sflag:$0x7] =	stream.linear.gather [hbm4b:s13+s2], $0x1140, $0x38;
	[tilespmem:$0xA300] =	vst v63  }
0x25: {  	_ = 	snop  }
0x26: {  	[tilespmem:s23], [sflag:$0x8] =	stream.linear.gather [hbm4b:s14+s2], $0x1140, $0x38;
	[tilespmem:$0xA300] =	vst v63  }
0x27: {  	_ =	swait.ge [sflag:s24], $0x1140  }
0x28: {  	[sflag:s24] =	ssyncset.done $0x0  }
0x29: {  	[sflag:s24] =	ssyncadd.s32 $0xFFFFEEC0  }
0x2a: {  	p0 =	sgt.s32 s12, $0x89C8;
	_ =	swait.ge [sflag:s25], $0x1140  }
0x2b: {  	s8 =	simm.s32 $0x89C8;
	s9 =	smov.u32 s12;
	[sflag:s25] =	ssyncset.done $0x0  }
0x2c: {  	s9 =	smov.u32 @p0 s8;
	[sflag:s25] =	ssyncadd.s32 $0xFFFFEEC0  }
0x2d: {  	s8 =	ssub.s32 s9, s5;
	_ =	swait.ge [sflag:s26], $0x1140  }
0x2e: {  	s8 =	sand.u32 $0x7FFF0, s8;
	[sflag:s26] =	ssyncset.done $0x0  }
0x2f: {  	s8 =	sor.u32 s5, s8;
	[sflag:s26] =	ssyncadd.s32 $0xFFFFEEC0  }
0x30: {  	s8 =	sadd.s32 s4, s8;
	_ =	swait.ge [sflag:s28], $0x1140  }
0x31: {  	s8 =	sshrl.u32 s8, $0x3;
	[sflag:s28] =	ssyncset.done $0x0  }
0x32: {  	s8 =	sadd.s32 s3, s8;
	[sflag:s28] =	ssyncadd.s32 $0xFFFFEEC0  }
0x33: {  	[tilespmem:s2], [sflag:$0x1] =	stream.linear.gather [hbm4b:s8+s2], $0x1140, $0x38;
	[tilespmem:$0xA300] =	vst v63  }
0x34: {  	s6 =	sadd.s32 $0x228, s8  }
0x35: {  	[tilespmem:s17], [sflag:$0x2] =	stream.linear.gather [hbm4b:s6+s2], $0x1140, $0x38;
	[tilespmem:$0xA300] =	vst v63  }
0x36: {  	s11 =	sadd.s32 $0x450, s8  }
0x37: {  	[tilespmem:s18], [sflag:$0x3] =	stream.linear.gather [hbm4b:s11+s2], $0x1140, $0x38;
	[tilespmem:$0xA300] =	vst v63  }
0x38: {  	s8 =	sadd.s32 $0x678, s8  }
0x39: {  	[tilespmem:s19], [sflag:$0x4] =	stream.linear.gather [hbm4b:s8+s2], $0x1140, $0x38;
	[tilespmem:$0xA300] =	vst v63  }
0x3a: {  	_ =	swait.ge [sflag:s29], $0x1140  }
0x3b: {  	[sflag:s29] =	ssyncset.done $0x0  }
0x3c: {  	[sflag:s29] =	ssyncadd.s32 $0xFFFFEEC0  }
0x3d: {  	p0 =	sgt.s32 s12, $0xCEB0;
	_ =	swait.ge [sflag:s30], $0x1140  }
0x3e: {  	s9 =	smov.u32 s12;
	s8 =	simm.s32 $0xCEB0;
	[sflag:s30] =	ssyncset.done $0x0  }
0x3f: {  	s9 =	smov.u32 @p0 s8;
	[sflag:s30] =	ssyncadd.s32 $0xFFFFEEC0  }
0x40: {  	s8 =	ssub.s32 s9, s5;
	_ =	swait.ge [sflag:s31], $0x1140  }
0x41: {  	s8 =	sand.u32 $0x7FFF0, s8;
	[sflag:s31] =	ssyncset.done $0x0  }
0x42: {  	s8 =	sor.u32 s5, s8;
	[sflag:s31] =	ssyncadd.s32 $0xFFFFEEC0  }
0x43: {  	s8 =	sadd.s32 s4, s8;
	_ =	swait.ge [sflag:s0], $0x1140  }
0x44: {  	s8 =	sshrl.u32 s8, $0x3;
	[sflag:s0] =	ssyncset.done $0x0  }
0x45: {  	s6 =	sadd.s32 s3, s8;
	[sflag:s0] =	ssyncadd.s32 $0xFFFFEEC0  }
0x46: {  	[tilespmem:s20], [sflag:$0x5] =	stream.linear.gather [hbm4b:s6+s2], $0x1140, $0x38;
	[tilespmem:$0xA300] =	vst v63  }
0x47: {  	s8 =	sadd.s32 $0x228, s6  }
0x48: {  	[tilespmem:s21], [sflag:$0x6] =	stream.linear.gather [hbm4b:s8+s2], $0x1140, $0x38;
	[tilespmem:$0xA300] =	vst v63  }
0x49: {  	s11 =	sadd.s32 $0x450, s6;
	s9 =	sadd.s32 $0x678, s6;
	s8 =	simm.s32 $0x15880  }
0x4a: {  	[tilespmem:s22], [sflag:$0x7] =	stream.linear.gather [hbm4b:s11+s2], $0x1140, $0x38;
	[tilespmem:$0xA300] =	vst v63  }
.LBB2_2:
0x4b: {  	[tilespmem:s23], [sflag:$0x8] =	stream.linear.gather [hbm4b:s9+s2], $0x1140, $0x38;
	[tilespmem:$0xA300] =	vst v63  }
0x4c: {  	s9 =	smov.u32 s8  }
0x4d: {  	p0 =	sne.s32 s8, $0x74470;
	s8 =	sadd.s32 $0x89D0, s8;
	_ =	swait.ge [sflag:s24], $0x1140  }
0x4e: {  	[sflag:s24] =	ssyncset.done $0x0  }
0x4f: {  	[sflag:s24] =	ssyncadd.s32 $0xFFFFEEC0  }
0x50: {  	s11 =	sadd.s32 $0xFFFFBB18, s9;
	_ =	swait.ge [sflag:s25], $0x1140  }
0x51: {  	s6 =	smov.u32 s12;
	p1 =	slt.s32 s11, s12;
	[sflag:s25] =	ssyncset.done $0x0  }
0x52: {  	s6 =	smov.u32 @p1 s11;
	[sflag:s25] =	ssyncadd.s32 $0xFFFFEEC0  }
0x53: {  	s6 =	ssub.s32 s6, s5;
	_ =	swait.ge [sflag:s26], $0x1140  }
0x54: {  	s6 =	sand.u32 $0x7FFF0, s6;
	[sflag:s26] =	ssyncset.done $0x0  }
0x55: {  	s6 =	sor.u32 s5, s6;
	[sflag:s26] =	ssyncadd.s32 $0xFFFFEEC0  }
0x56: {  	s6 =	sadd.s32 s4, s6;
	_ =	swait.ge [sflag:s28], $0x1140  }
0x57: {  	s6 =	sshrl.u32 s6, $0x3;
	[sflag:s28] =	ssyncset.done $0x0  }
0x58: {  	s6 =	sadd.s32 s3, s6;
	[sflag:s28] =	ssyncadd.s32 $0xFFFFEEC0  }
0x59: {  	[tilespmem:s2], [sflag:$0x1] =	stream.linear.gather [hbm4b:s6+s2], $0x1140, $0x38;
	[tilespmem:$0xA300] =	vst v63  }
0x5a: {  	s11 =	sadd.s32 $0x228, s6  }
0x5b: {  	[tilespmem:s17], [sflag:$0x2] =	stream.linear.gather [hbm4b:s11+s2], $0x1140, $0x38;
	[tilespmem:$0xA300] =	vst v63  }
0x5c: {  	s11 =	sadd.s32 $0x450, s6  }
0x5d: {  	[tilespmem:s18], [sflag:$0x3] =	stream.linear.gather [hbm4b:s11+s2], $0x1140, $0x38;
	[tilespmem:$0xA300] =	vst v63  }
0x5e: {  	s6 =	sadd.s32 $0x678, s6  }
0x5f: {  	[tilespmem:s19], [sflag:$0x4] =	stream.linear.gather [hbm4b:s6+s2], $0x1140, $0x38;
	[tilespmem:$0xA300] =	vst v63  }
0x60: {  	_ =	swait.ge [sflag:s29], $0x1140  }
0x61: {  	[sflag:s29] =	ssyncset.done $0x0  }
0x62: {  	[sflag:s29] =	ssyncadd.s32 $0xFFFFEEC0  }
0x63: {  	_ =	swait.ge [sflag:s30], $0x1140  }
0x64: {  	p1 =	slt.s32 s9, s12;
	s6 =	smov.u32 s12;
	[sflag:s30] =	ssyncset.done $0x0  }
0x65: {  	s6 =	smov.u32 @p1 s9;
	[sflag:s30] =	ssyncadd.s32 $0xFFFFEEC0  }
0x66: {  	s6 =	ssub.s32 s6, s5;
	_ =	swait.ge [sflag:s31], $0x1140  }
0x67: {  	s6 =	sand.u32 $0x7FFF0, s6;
	[sflag:s31] =	ssyncset.done $0x0  }
0x68: {  	s6 =	sor.u32 s5, s6;
	[sflag:s31] =	ssyncadd.s32 $0xFFFFEEC0  }
0x69: {  	s6 =	sadd.s32 s4, s6;
	_ =	swait.ge [sflag:s0], $0x1140  }
0x6a: {  	s6 =	sshrl.u32 s6, $0x3;
	[sflag:s0] =	ssyncset.done $0x0  }
0x6b: {  	s6 =	sadd.s32 s3, s6;
	[sflag:s0] =	ssyncadd.s32 $0xFFFFEEC0  }
0x6c: {  	[tilespmem:s20], [sflag:$0x5] =	stream.linear.gather [hbm4b:s6+s2], $0x1140, $0x38;
	[tilespmem:$0xA300] =	vst v63  }
.Ltmp0:
0x6d: {  	s9 =	sadd.s32 $0x228, s6;
	(pc) =	sbr.rel @p0 .LBB2_2-.Ltmp0, $4  }
0x6e: {  	[tilespmem:s21], [sflag:$0x6] =	stream.linear.gather [hbm4b:s9+s2], $0x1140, $0x38;
	[tilespmem:$0xA300] =	vst v63  }
0x6f: {  	s9 =	sadd.s32 $0x450, s6  }
0x70: {  	[tilespmem:s22], [sflag:$0x7] =	stream.linear.gather [hbm4b:s9+s2], $0x1140, $0x38;
	[tilespmem:$0xA300] =	vst v63  }
0x71: {  	s9 =	sadd.s32 $0x678, s6  }
0x72: {  	[tilespmem:s23], [sflag:$0x8] =	stream.linear.gather [hbm4b:s9+s2], $0x1140, $0x38;
	[tilespmem:$0xA300] =	vst v63  }
0x73: {  	_ =	swait.ge [sflag:s24], $0x1140  }
0x74: {  	[sflag:s24] =	ssyncset.done $0x0  }
0x75: {  	[sflag:s24] =	ssyncadd.s32 $0xFFFFEEC0  }
0x76: {  	_ =	swait.ge [sflag:s25], $0x1140  }
0x77: {  	[sflag:s25] =	ssyncset.done $0x0  }
0x78: {  	[sflag:s25] =	ssyncadd.s32 $0xFFFFEEC0  }
0x79: {  	_ =	swait.ge [sflag:s26], $0x1140  }
0x7a: {  	[sflag:s26] =	ssyncset.done $0x0  }
0x7b: {  	[sflag:s26] =	ssyncadd.s32 $0xFFFFEEC0  }
0x7c: {  	_ =	swait.ge [sflag:s28], $0x1140  }
0x7d: {  	[sflag:s28] =	ssyncset.done $0x0  }
0x7e: {  	s6 =	simm.s32 $0x8A00;
	[sflag:s28] =	ssyncadd.s32 $0xFFFFEEC0  }
0x7f: {  	[hbm4b:s15+s2] =	stream.linear.scatter [tilespmem:s6], [sflag:$0x9], $0x1900, $0x38;
	[tilespmem:$0xA300] =	vst v63  }
0x80: {  	_ =	swait.ge [sflag:s1], $0x1900  }
0x81: {  	[sflag:s1] =	ssyncset.done $0x0  }
0x82: {  	[sflag:s1] =	ssyncadd.s32 $0xFFFFE700  }
0x83: {  	_ =	swait.ge [sflag:s29], $0x1140  }
0x84: {  	[sflag:s29] =	ssyncset.done $0x0  }
0x85: {  	[sflag:s29] =	ssyncadd.s32 $0xFFFFEEC0  }
0x86: {  	_ =	swait.ge [sflag:s30], $0x1140  }
0x87: {  	[sflag:s30] =	ssyncset.done $0x0  }
0x88: {  	s7 =	sadd.s32 $0x1, s7;
	[sflag:s30] =	ssyncadd.s32 $0xFFFFEEC0  }
0x89: {  	p0 =	sne.s32 s7, s16;
	_ =	swait.ge [sflag:s31], $0x1140  }
.Ltmp1:
0x8a: {  	[sflag:s31] =	ssyncset.done $0x0;
	(pc) =	sbr.rel @p0 .LBB2_1-.Ltmp1, $4  }
0x8b: {  	[sflag:s31] =	ssyncadd.s32 $0xFFFFEEC0  }
0x8c: {  	_ =	swait.ge [sflag:s0], $0x1140  }
0x8d: {  	[sflag:s0] =	ssyncset.done $0x0  }
0x8e: {  	[sflag:s0] =	ssyncadd.s32 $0xFFFFEEC0  }
0x8f: {  	_ =	sfence.sel $0x180000  }
0x90: {  	[bflag:$0x0] =	sbarrier.arrive $0xFFFF  }
0x91: {  	_ =	strace $0x90000047  }
0x92: {  	s0 =	stileid.u32;
	[bflag:$0x2] =	sbarrier.arrive $0xFFFF  }
0x93: {  	p0 =	sne.s32 s0, $0x0;
	s0 =	rddreg [dreg:$0x1]  }
0x94: {  	s0 =	sadd.s32 @!p0 $0x100000, s0  }
0x95: {  	[sflag:s0] =	ssyncadd.tile.s32 @!p0 $0x1;
	_ =	shalt  }
.Lfunc_end2:
_tile_overlayer_lowered:
.L_overlay_start_2:
0x96: {  	(tag) =	ssettag $0x2  }
0x97: {  	s0 =	rddreg [dreg:$0x0];
	s2 =	stileid.u32  }
0x98: {  	s1 =	rddreg [dreg:$0x1];
	p0 =	sne.s32 s2, $0x0  }
0x99: {  	s3 =	rddreg [dreg:$0x2];
	[bflag:$0x3] =	sbarrier.arrive $0xFFFF;
	s2 =	simm.s32 @!p0 $0x1C0A  }
0x9a: {  	[timem:s3], [sflag:s2] =	dma.local @!p0 [hbm:s0], s1  }
0x9b: {  	s0 =	simm.s32 @!p0 $0xA  }
0x9c: {  	_ =	swait.ge @!p0 [sflag:s0], s1  }
0x9d: {  	s1 =	ssub.s32 @!p0 $0x0, s1;
	[sflag:s0] =	ssyncset.done @!p0 $0x0  }
0x9e: {  	[sflag:s0] =	ssyncadd.s32 @!p0 s1  }
0x9f: {  	[bflag:$0x3] =	sbarrier.arrive $0xFFFF  }
0xa0: {  	_ =	shalt  }

</sc_bundles>
